<compile_context>
chip_gen: v7x
topology: tpu7x:2x2x1
jax: 0.10.2.dev20260603
libtpu: 0.0.44.dev20260713+nightly
codegen_flags: <defaults>
</compile_context>

<pallas_src>
import functools

import jax
import jax.numpy as jnp
from jax import lax
from jax.experimental import pallas as pl

B, S = 1024, 77
GCN_DIM, MODEL_DIM = 512, 768
MAX_OBJS, MAX_SEQ_LEN = 100, 77
MAX_DIST = MAX_OBJS

N = B * S
BN = 512
G = N // BN

OFF_ABS = 0
OFF_SELF = OFF_ABS + MAX_SEQ_LEN
OFF_SUB = OFF_SELF + MAX_OBJS
OFF_OBJ = OFF_SUB + MAX_OBJS
OFF_REL = OFF_OBJ + MAX_OBJS
T_ROWS = OFF_REL + (2 * MAX_DIST + 1)
T_PAD = ((T_ROWS + 7) // 8) * 8


def _body(x_ref, idx_ref, w1_ref, b1_ref, w2_ref, b2_ref, tbl_ref, type_ref,
          xc_ref, xm_ref):
    x = x_ref[...].astype(jnp.bfloat16)
    h = jnp.dot(x, w1_ref[...], preferred_element_type=jnp.float32) + b1_ref[...]
    h = 0.5 * h * (1.0 + lax.erf(h * 0.7071067811865476))
    xc = jnp.dot(h.astype(jnp.bfloat16), w2_ref[...],
                 preferred_element_type=jnp.float32) + b2_ref[...]
    xc_ref[...] = xc

    idx = idx_ref[0]
    pos = idx[:, 0:1]
    tok = idx[:, 1:2]
    oi = jnp.minimum(idx[:, 2:3], MAX_OBJS - 1)
    sp = jnp.minimum(idx[:, 3:4], MAX_OBJS - 1)
    op = jnp.minimum(idx[:, 4:5], MAX_OBJS - 1)
    ds = jnp.clip(pos - sp, -MAX_DIST, MAX_DIST) + MAX_DIST
    do = jnp.clip(pos - op, -MAX_DIST, MAX_DIST) + MAX_DIST
    t0 = tok == 0
    t1 = tok == 1

    c = lax.broadcasted_iota(jnp.int32, (BN, T_PAD), 1)
    u = (c == pos).astype(jnp.float32)
    u += ((c == oi + OFF_SELF) & t0).astype(jnp.float32)
    u += ((c == sp + OFF_SUB) & t1).astype(jnp.float32)
    u += ((c == op + OFF_OBJ) & t1).astype(jnp.float32)
    u += ((c == ds + OFF_REL) & t1).astype(jnp.float32)
    u += ((c == do + OFF_REL) & t1).astype(jnp.float32)
    emb = jnp.dot(u.astype(jnp.bfloat16), tbl_ref[...],
                  preferred_element_type=jnp.float32)

    tf = tok.astype(jnp.float32)
    typ = type_ref[0:1, :] + tf * (type_ref[1:2, :] - type_ref[0:1, :])
    xm_ref[...] = xc + emb + typ


@functools.partial(jax.jit, static_argnames=())
def kernel(gcn_vectors, token_types, obj_idx, sub_ptr, obj_ptr, W1, b1, W2, b2,
           abs_pos_emb, type_emb, self_idx_emb, sub_ptr_emb, obj_ptr_emb,
           rel_dist_emb):
    xg = gcn_vectors.reshape(N, GCN_DIM)
    pos = jnp.broadcast_to(
        jnp.minimum(jnp.arange(S, dtype=jnp.int32), MAX_SEQ_LEN - 1)[None, :],
        (B, S)).reshape(N)
    idx = jnp.stack(
        [pos,
         token_types.reshape(N).astype(jnp.int32),
         obj_idx.reshape(N).astype(jnp.int32),
         sub_ptr.reshape(N).astype(jnp.int32),
         obj_ptr.reshape(N).astype(jnp.int32)],
        axis=-1).reshape(G, BN, 5)
    tbl = jnp.concatenate(
        [abs_pos_emb, self_idx_emb, sub_ptr_emb, obj_ptr_emb, rel_dist_emb,
         jnp.zeros((T_PAD - T_ROWS, MODEL_DIM), jnp.float32)],
        axis=0).astype(jnp.bfloat16)

    xc, xm = pl.pallas_call(
        _body,
        grid=(G,),
        in_specs=[
            pl.BlockSpec((BN, GCN_DIM), lambda i: (i, 0)),
            pl.BlockSpec((1, BN, 5), lambda i: (i, 0, 0)),
            pl.BlockSpec((GCN_DIM, MODEL_DIM), lambda i: (0, 0)),
            pl.BlockSpec((1, MODEL_DIM), lambda i: (0, 0)),
            pl.BlockSpec((MODEL_DIM, MODEL_DIM), lambda i: (0, 0)),
            pl.BlockSpec((1, MODEL_DIM), lambda i: (0, 0)),
            pl.BlockSpec((T_PAD, MODEL_DIM), lambda i: (0, 0)),
            pl.BlockSpec((2, MODEL_DIM), lambda i: (0, 0)),
        ],
        out_specs=[
            pl.BlockSpec((BN, MODEL_DIM), lambda i: (i, 0)),
            pl.BlockSpec((BN, MODEL_DIM), lambda i: (i, 0)),
        ],
        out_shape=[
            jax.ShapeDtypeStruct((N, MODEL_DIM), jnp.float32),
            jax.ShapeDtypeStruct((N, MODEL_DIM), jnp.float32),
        ],
    )(xg, idx, W1.astype(jnp.bfloat16), b1.reshape(1, MODEL_DIM),
      W2.astype(jnp.bfloat16), b2.reshape(1, MODEL_DIM), tbl, type_emb)
    return (xc.reshape(B, S, MODEL_DIM), xm.reshape(B, S, MODEL_DIM))

# --- scband reference (transcript-rebuilt; emitter-appended) ---
"""Pipeline reference for scband-scene-graph-embedder-84447646974720 (READ-ONLY COPY).

The authoritative reference and input builder live on the scoring server;
editing this copy changes nothing except your own understanding.
"""

import jax, jax.numpy as jnp
import numpy as np

B, S = 1024, 77
GCN_DIM, MODEL_DIM = 512, 768
MAX_OBJS, MAX_SEQ_LEN = 100, 77
MAX_DIST = MAX_OBJS


def setup_inputs(seed: int = 0) -> dict:
    key = jax.random.key(seed)
    ks = jax.random.split(key, 16)
    inp = {}
    inp["gcn_vectors"] = jax.random.normal(ks[0], (B, S, GCN_DIM), dtype=jnp.float32)
    inp["token_types"] = jax.random.randint(ks[1], (B, S), 0, 2)
    inp["obj_idx"] = jax.random.randint(ks[2], (B, S), 0, MAX_OBJS)
    inp["sub_ptr"] = jax.random.randint(ks[3], (B, S), 0, MAX_OBJS)
    inp["obj_ptr"] = jax.random.randint(ks[4], (B, S), 0, MAX_OBJS)
    # adapter linear params (xavier uniform weights, zero bias)
    lim1 = float(np.sqrt(6.0 / (GCN_DIM + MODEL_DIM)))
    lim2 = float(np.sqrt(6.0 / (MODEL_DIM + MODEL_DIM)))
    inp["W1"] = jax.random.uniform(ks[5], (GCN_DIM, MODEL_DIM), dtype=jnp.float32, minval=-lim1, maxval=lim1)
    inp["b1"] = jnp.zeros((MODEL_DIM,), dtype=jnp.float32)
    inp["W2"] = jax.random.uniform(ks[6], (MODEL_DIM, MODEL_DIM), dtype=jnp.float32, minval=-lim2, maxval=lim2)
    inp["b2"] = jnp.zeros((MODEL_DIM,), dtype=jnp.float32)
    # embedding tables, normal std=0.01
    inp["abs_pos_emb"] = jax.random.normal(ks[7], (MAX_SEQ_LEN, MODEL_DIM), dtype=jnp.float32) * 0.01
    inp["type_emb"] = jax.random.normal(ks[8], (2, MODEL_DIM), dtype=jnp.float32) * 0.01
    inp["self_idx_emb"] = jax.random.normal(ks[9], (MAX_OBJS, MODEL_DIM), dtype=jnp.float32) * 0.01
    inp["sub_ptr_emb"] = jax.random.normal(ks[10], (MAX_OBJS, MODEL_DIM), dtype=jnp.float32) * 0.01
    inp["obj_ptr_emb"] = jax.random.normal(ks[11], (MAX_OBJS, MODEL_DIM), dtype=jnp.float32) * 0.01
    inp["rel_dist_emb"] = jax.random.normal(ks[12], (2 * MAX_DIST + 1, MODEL_DIM), dtype=jnp.float32) * 0.01
    return inp


def reference(gcn_vectors, token_types, obj_idx, sub_ptr, obj_ptr,
              W1, b1, W2, b2,
              abs_pos_emb, type_emb, self_idx_emb, sub_ptr_emb, obj_ptr_emb, rel_dist_emb):
    batch_size, seq_len, _ = gcn_vectors.shape
    h = jnp.dot(gcn_vectors, W1) + b1
    h = jax.nn.gelu(h, approximate=False)
    x_clean = jnp.dot(h, W2) + b2
    seq_indices = jnp.broadcast_to(jnp.arange(seq_len)[None, :], (batch_size, seq_len))
    safe_seq_indices = jnp.minimum(seq_indices, MAX_SEQ_LEN - 1)
    x_mixed = x_clean + jnp.take(abs_pos_emb, safe_seq_indices, axis=0)
    x_mixed = x_mixed + jnp.take(type_emb, token_types, axis=0)
    is_obj = token_types == 0
    obj_e = jnp.take(self_idx_emb, jnp.minimum(obj_idx, MAX_OBJS - 1), axis=0)
    x_mixed = jnp.where(is_obj[..., None], x_mixed + obj_e, x_mixed)
    is_rel = token_types == 1
    sub_e = jnp.take(sub_ptr_emb, jnp.minimum(sub_ptr, MAX_OBJS - 1), axis=0)
    obj_e2 = jnp.take(obj_ptr_emb, jnp.minimum(obj_ptr, MAX_OBJS - 1), axis=0)
    x_mixed = jnp.where(is_rel[..., None], x_mixed + sub_e + obj_e2, x_mixed)
    dist_sub = jnp.clip(seq_indices - sub_ptr, -MAX_DIST, MAX_DIST) + MAX_DIST
    dist_obj = jnp.clip(seq_indices - obj_ptr, -MAX_DIST, MAX_DIST) + MAX_DIST
    rel_sub_e = jnp.take(rel_dist_emb, dist_sub, axis=0)
    rel_obj_e = jnp.take(rel_dist_emb, dist_obj, axis=0)
    x_mixed = jnp.where(is_rel[..., None], x_mixed + rel_sub_e + rel_obj_e, x_mixed)
    return (x_clean, x_mixed)

if __name__ == "__main__":
    import jax
    _d = setup_inputs()
    print(jax.jit(kernel)(*tuple(_d.values())))

</pallas_src>

<mosaic_0001>
module attributes {stable_mosaic.version = 14 : i64} {
  func.func @_body(%arg0: i32, %arg1: memref<512x512xf32, #tpu.memory_space<vmem>>, %arg2: memref<1x512x5xi32, #tpu.memory_space<vmem>>, %arg3: memref<512x768xbf16, #tpu.memory_space<vmem>>, %arg4: memref<1x768xf32, #tpu.memory_space<vmem>>, %arg5: memref<768x768xbf16, #tpu.memory_space<vmem>>, %arg6: memref<1x768xf32, #tpu.memory_space<vmem>>, %arg7: memref<584x768xbf16, #tpu.memory_space<vmem>>, %arg8: memref<2x768xf32, #tpu.memory_space<vmem>>, %arg9: memref<512x768xf32, #tpu.memory_space<vmem>>, %arg10: memref<512x768xf32, #tpu.memory_space<vmem>>) attributes {dimension_semantics = [#tpu.dimension_semantics<arbitrary>], iteration_bounds = array<i64: 154>, scalar_prefetch = 0 : i64, scratch_operands = 0 : i64, tpu.core_type = #tpu.core_type<tc>, window_params = [{transform_indices = @transform_0, window_bounds = array<i64: 512, 512>}, {transform_indices = @transform_1, window_bounds = array<i64: 1, 512, 5>}, {pipeline_mode = #tpu.pipeline_mode<synchronous>, transform_indices = @transform_2, window_bounds = array<i64: 512, 768>}, {pipeline_mode = #tpu.pipeline_mode<synchronous>, transform_indices = @transform_3, window_bounds = array<i64: 1, 768>}, {pipeline_mode = #tpu.pipeline_mode<synchronous>, transform_indices = @transform_4, window_bounds = array<i64: 768, 768>}, {pipeline_mode = #tpu.pipeline_mode<synchronous>, transform_indices = @transform_5, window_bounds = array<i64: 1, 768>}, {pipeline_mode = #tpu.pipeline_mode<synchronous>, transform_indices = @transform_6, window_bounds = array<i64: 584, 768>}, {pipeline_mode = #tpu.pipeline_mode<synchronous>, transform_indices = @transform_7, window_bounds = array<i64: 2, 768>}, {transform_indices = @transform_8, window_bounds = array<i64: 512, 768>}, {transform_indices = @transform_9, window_bounds = array<i64: 512, 768>}]} {
    %get3A = arith.constant 0 : index
    %get3A_0 = arith.constant 0 : index
    %get3A_1 = vector.load %arg1[%get3A, %get3A_0] : memref<512x512xf32, #tpu.memory_space<vmem>>, vector<512x512xf32>
    %convert_element_type3A = arith.truncf %get3A_1 : vector<512x512xf32> to vector<512x512xbf16>
    %get3A_2 = arith.constant 0 : index
    %get3A_3 = arith.constant 0 : index
    %get3A_4 = vector.load %arg3[%get3A_2, %get3A_3] : memref<512x768xbf16, #tpu.memory_space<vmem>>, vector<512x768xbf16>
    %dot_general3A = arith.constant dense<0.000000e+00> : vector<512x768xf32>
    %dot_general3A_5 = tpu.matmul %convert_element_type3A, %get3A_4, %dot_general3A {dimension_numbers = #tpu.dot_dimension_numbers<[1], [0], [0], [1], [0, 0, 1, 1], [], []>, transpose_lhs_hint = false} : vector<512x512xbf16>, vector<512x768xbf16>, vector<512x768xf32> -> vector<512x768xf32>
    %get3A_6 = arith.constant 0 : index
    %get3A_7 = arith.constant 0 : index
    %get3A_8 = vector.load %arg4[%get3A_6, %get3A_7] : memref<1x768xf32, #tpu.memory_space<vmem>>, vector<1x768xf32>
    %add3A = vector.broadcast %get3A_8 : vector<1x768xf32> to vector<512x768xf32>
    %add3A_9 = arith.addf %dot_general3A_5, %add3A : vector<512x768xf32>
    %mul3A = arith.constant 5.000000e-01 : f32
    %mul3A_10 = vector.broadcast %mul3A : f32 to vector<512x768xf32>
    %mul3A_11 = arith.mulf %mul3A_10, %add3A_9 : vector<512x768xf32>
    %mul3A_12 = arith.constant 0.707106769 : f32
    %mul3A_13 = vector.broadcast %mul3A_12 : f32 to vector<512x768xf32>
    %mul3A_14 = arith.mulf %add3A_9, %mul3A_13 : vector<512x768xf32>
    %erf3A = math.erf %mul3A_14 : vector<512x768xf32>
    %add3A_15 = arith.constant 1.000000e+00 : f32
    %add3A_16 = vector.broadcast %add3A_15 : f32 to vector<512x768xf32>
    %add3A_17 = arith.addf %add3A_16, %erf3A : vector<512x768xf32>
    %mul3A_18 = arith.mulf %mul3A_11, %add3A_17 : vector<512x768xf32>
    %convert_element_type3A_19 = arith.truncf %mul3A_18 : vector<512x768xf32> to vector<512x768xbf16>
    %get3A_20 = arith.constant 0 : index
    %get3A_21 = arith.constant 0 : index
    %get3A_22 = vector.load %arg5[%get3A_20, %get3A_21] : memref<768x768xbf16, #tpu.memory_space<vmem>>, vector<768x768xbf16>
    %dot_general3A_23 = arith.constant dense<0.000000e+00> : vector<512x768xf32>
    %dot_general3A_24 = tpu.matmul %convert_element_type3A_19, %get3A_22, %dot_general3A_23 {dimension_numbers = #tpu.dot_dimension_numbers<[1], [0], [0], [1], [0, 0, 1, 1], [], []>, transpose_lhs_hint = false} : vector<512x768xbf16>, vector<768x768xbf16>, vector<512x768xf32> -> vector<512x768xf32>
    %get3A_25 = arith.constant 0 : index
    %get3A_26 = arith.constant 0 : index
    %get3A_27 = vector.load %arg6[%get3A_25, %get3A_26] : memref<1x768xf32, #tpu.memory_space<vmem>>, vector<1x768xf32>
    %add3A_28 = vector.broadcast %get3A_27 : vector<1x768xf32> to vector<512x768xf32>
    %add3A_29 = arith.addf %dot_general3A_24, %add3A_28 : vector<512x768xf32>
    %swap3A = arith.constant 0 : index
    %swap3A_30 = arith.constant 0 : index
    %swap3A_31 = vector.load %arg9[%swap3A, %swap3A_30] : memref<512x768xf32, #tpu.memory_space<vmem>>, vector<512x768xf32>
    tpu.vector_store %arg9[%swap3A, %swap3A_30], %add3A_29 {strides = array<i32>} : memref<512x768xf32, #tpu.memory_space<vmem>>, vector<512x768xf32>,
    %get3A_32 = arith.constant 0 : index
    %get3A_33 = arith.constant 0 : index
    %get3A_34 = arith.constant 0 : index
    %get3A_35 = vector.load %arg2[%get3A_32, %get3A_33, %get3A_34] : memref<1x512x5xi32, #tpu.memory_space<vmem>>, vector<1x512x5xi32>
    %get3A_36 = vector.shape_cast %get3A_35 : vector<1x512x5xi32> to vector<512x5xi32>
    %slice3A = vector.extract_strided_slice %get3A_36 {offsets = [0, 0], sizes = [512, 1], strides = [1, 1]} : vector<512x5xi32> to vector<512x1xi32>
    %slice3A_37 = vector.extract_strided_slice %get3A_36 {offsets = [0, 1], sizes = [512, 1], strides = [1, 1]} : vector<512x5xi32> to vector<512x1xi32>
    %slice3A_38 = vector.extract_strided_slice %get3A_36 {offsets = [0, 2], sizes = [512, 1], strides = [1, 1]} : vector<512x5xi32> to vector<512x1xi32>
    %min3A = arith.constant 99 : i32
    %min3A_39 = vector.broadcast %min3A : i32 to vector<512x1xi32>
    %min3A_40 = arith.minsi %slice3A_38, %min3A_39 : vector<512x1xi32>
    %slice3A_41 = vector.extract_strided_slice %get3A_36 {offsets = [0, 3], sizes = [512, 1], strides = [1, 1]} : vector<512x5xi32> to vector<512x1xi32>
    %min3A_42 = arith.constant 99 : i32
    %min3A_43 = vector.broadcast %min3A_42 : i32 to vector<512x1xi32>
    %min3A_44 = arith.minsi %slice3A_41, %min3A_43 : vector<512x1xi32>
    %slice3A_45 = vector.extract_strided_slice %get3A_36 {offsets = [0, 4], sizes = [512, 1], strides = [1, 1]} : vector<512x5xi32> to vector<512x1xi32>
    %min3A_46 = arith.constant 99 : i32
    %min3A_47 = vector.broadcast %min3A_46 : i32 to vector<512x1xi32>
    %min3A_48 = arith.minsi %slice3A_45, %min3A_47 : vector<512x1xi32>
    %sub3A = arith.subi %slice3A, %min3A_44 : vector<512x1xi32>
    %jit3A = arith.constant -100 : i32
    %jit3A_49 = arith.constant 100 : i32
    %max3A = vector.broadcast %jit3A : i32 to vector<512x1xi32>
    %max3A_50 = arith.maxsi %max3A, %sub3A : vector<512x1xi32>
    %min3A_51 = vector.broadcast %jit3A_49 : i32 to vector<512x1xi32>
    %min3A_52 = arith.minsi %min3A_51, %max3A_50 : vector<512x1xi32>
    %add3A_53 = arith.constant 100 : i32
    %add3A_54 = vector.broadcast %add3A_53 : i32 to vector<512x1xi32>
    %add3A_55 = arith.addi %min3A_52, %add3A_54 : vector<512x1xi32>
    %sub3A_56 = arith.subi %slice3A, %min3A_48 : vector<512x1xi32>
    %jit3A_57 = arith.constant -100 : i32
    %jit3A_58 = arith.constant 100 : i32
    %max3A_59 = vector.broadcast %jit3A_57 : i32 to vector<512x1xi32>
    %max3A_60 = arith.maxsi %max3A_59, %sub3A_56 : vector<512x1xi32>
    %min3A_61 = vector.broadcast %jit3A_58 : i32 to vector<512x1xi32>
    %min3A_62 = arith.minsi %min3A_61, %max3A_60 : vector<512x1xi32>
    %add3A_63 = arith.constant 100 : i32
    %add3A_64 = vector.broadcast %add3A_63 : i32 to vector<512x1xi32>
    %add3A_65 = arith.addi %min3A_62, %add3A_64 : vector<512x1xi32>
    %eq3A = arith.constant 0 : i32
    %eq3A_66 = vector.broadcast %eq3A : i32 to vector<512x1xi32>
    %eq3A_67 = arith.cmpi eq, %slice3A_37, %eq3A_66 : vector<512x1xi32>
    %eq3A_68 = arith.constant 1 : i32
    %eq3A_69 = vector.broadcast %eq3A_68 : i32 to vector<512x1xi32>
    %eq3A_70 = arith.cmpi eq, %slice3A_37, %eq3A_69 : vector<512x1xi32>
    %iota3A = tpu.iota {dimensions = array<i32: 1>} : vector<512x584xi32>
    %eq3A_71 = vector.broadcast %slice3A : vector<512x1xi32> to vector<512x584xi32>
    %eq3A_72 = arith.cmpi eq, %iota3A, %eq3A_71 : vector<512x584xi32>
    %convert_element_type3A_73 = arith.extui %eq3A_72 : vector<512x584xi1> to vector<512x584xi32>
    %convert_element_type3A_74 = arith.sitofp %convert_element_type3A_73 : vector<512x584xi32> to vector<512x584xf32>
    %add3A_75 = arith.constant 77 : i32
    %add3A_76 = vector.broadcast %add3A_75 : i32 to vector<512x1xi32>
    %add3A_77 = arith.addi %min3A_40, %add3A_76 : vector<512x1xi32>
    %eq3A_78 = vector.broadcast %add3A_77 : vector<512x1xi32> to vector<512x584xi32>
    %eq3A_79 = arith.cmpi eq, %iota3A, %eq3A_78 : vector<512x584xi32>
    %and3A = vector.broadcast %eq3A_67 : vector<512x1xi1> to vector<512x584xi1>
    %and3A_80 = arith.andi %eq3A_79, %and3A : vector<512x584xi1>
    %convert_element_type3A_81 = arith.extui %and3A_80 : vector<512x584xi1> to vector<512x584xi32>
    %convert_element_type3A_82 = arith.sitofp %convert_element_type3A_81 : vector<512x584xi32> to vector<512x584xf32>
    %add3A_83 = arith.addf %convert_element_type3A_74, %convert_element_type3A_82 : vector<512x584xf32>
    %add3A_84 = arith.constant 177 : i32
    %add3A_85 = vector.broadcast %add3A_84 : i32 to vector<512x1xi32>
    %add3A_86 = arith.addi %min3A_44, %add3A_85 : vector<512x1xi32>
    %eq3A_87 = vector.broadcast %add3A_86 : vector<512x1xi32> to vector<512x584xi32>
    %eq3A_88 = arith.cmpi eq, %iota3A, %eq3A_87 : vector<512x584xi32>
    %and3A_89 = vector.broadcast %eq3A_70 : vector<512x1xi1> to vector<512x584xi1>
    %and3A_90 = arith.andi %eq3A_88, %and3A_89 : vector<512x584xi1>
    %convert_element_type3A_91 = arith.extui %and3A_90 : vector<512x584xi1> to vector<512x584xi32>
    %convert_element_type3A_92 = arith.sitofp %convert_element_type3A_91 : vector<512x584xi32> to vector<512x584xf32>
    %add3A_93 = arith.addf %add3A_83, %convert_element_type3A_92 : vector<512x584xf32>
    %add3A_94 = arith.constant 277 : i32
    %add3A_95 = vector.broadcast %add3A_94 : i32 to vector<512x1xi32>
    %add3A_96 = arith.addi %min3A_48, %add3A_95 : vector<512x1xi32>
    %eq3A_97 = vector.broadcast %add3A_96 : vector<512x1xi32> to vector<512x584xi32>
    %eq3A_98 = arith.cmpi eq, %iota3A, %eq3A_97 : vector<512x584xi32>
    %and3A_99 = vector.broadcast %eq3A_70 : vector<512x1xi1> to vector<512x584xi1>
    %and3A_100 = arith.andi %eq3A_98, %and3A_99 : vector<512x584xi1>
    %convert_element_type3A_101 = arith.extui %and3A_100 : vector<512x584xi1> to vector<512x584xi32>
    %convert_element_type3A_102 = arith.sitofp %convert_element_type3A_101 : vector<512x584xi32> to vector<512x584xf32>
    %add3A_103 = arith.addf %add3A_93, %convert_element_type3A_102 : vector<512x584xf32>
    %add3A_104 = arith.constant 377 : i32
    %add3A_105 = vector.broadcast %add3A_104 : i32 to vector<512x1xi32>
    %add3A_106 = arith.addi %add3A_55, %add3A_105 : vector<512x1xi32>
    %eq3A_107 = vector.broadcast %add3A_106 : vector<512x1xi32> to vector<512x584xi32>
    %eq3A_108 = arith.cmpi eq, %iota3A, %eq3A_107 : vector<512x584xi32>
    %and3A_109 = vector.broadcast %eq3A_70 : vector<512x1xi1> to vector<512x584xi1>
    %and3A_110 = arith.andi %eq3A_108, %and3A_109 : vector<512x584xi1>
    %convert_element_type3A_111 = arith.extui %and3A_110 : vector<512x584xi1> to vector<512x584xi32>
    %convert_element_type3A_112 = arith.sitofp %convert_element_type3A_111 : vector<512x584xi32> to vector<512x584xf32>
    %add3A_113 = arith.addf %add3A_103, %convert_element_type3A_112 : vector<512x584xf32>
    %add3A_114 = arith.constant 377 : i32
    %add3A_115 = vector.broadcast %add3A_114 : i32 to vector<512x1xi32>
    %add3A_116 = arith.addi %add3A_65, %add3A_115 : vector<512x1xi32>
    %eq3A_117 = vector.broadcast %add3A_116 : vector<512x1xi32> to vector<512x584xi32>
    %eq3A_118 = arith.cmpi eq, %iota3A, %eq3A_117 : vector<512x584xi32>
    %and3A_119 = vector.broadcast %eq3A_70 : vector<512x1xi1> to vector<512x584xi1>
    %and3A_120 = arith.andi %eq3A_118, %and3A_119 : vector<512x584xi1>
    %convert_element_type3A_121 = arith.extui %and3A_120 : vector<512x584xi1> to vector<512x584xi32>
    %convert_element_type3A_122 = arith.sitofp %convert_element_type3A_121 : vector<512x584xi32> to vector<512x584xf32>
    %add3A_123 = arith.addf %add3A_113, %convert_element_type3A_122 : vector<512x584xf32>
    %convert_element_type3A_124 = arith.truncf %add3A_123 : vector<512x584xf32> to vector<512x584xbf16>
    %get3A_125 = arith.constant 0 : index
    %get3A_126 = arith.constant 0 : index
    %get3A_127 = vector.load %arg7[%get3A_125, %get3A_126] : memref<584x768xbf16, #tpu.memory_space<vmem>>, vector<584x768xbf16>
    %dot_general3A_128 = arith.constant dense<0.000000e+00> : vector<512x768xf32>
    %dot_general3A_129 = tpu.matmul %convert_element_type3A_124, %get3A_127, %dot_general3A_128 {dimension_numbers = #tpu.dot_dimension_numbers<[1], [0], [0], [1], [0, 0, 1, 1], [], []>, transpose_lhs_hint = false} : vector<512x584xbf16>, vector<584x768xbf16>, vector<512x768xf32> -> vector<512x768xf32>
    %convert_element_type3A_130 = arith.sitofp %slice3A_37 : vector<512x1xi32> to vector<512x1xf32>
    %get3A_131 = arith.constant 0 : index
    %get3A_132 = arith.constant 0 : index
    %get3A_133 = vector.load %arg8[%get3A_131, %get3A_132] : memref<2x768xf32, #tpu.memory_space<vmem>>, vector<1x768xf32>
    %get3A_134 = arith.constant 1 : index
    %get3A_135 = arith.constant 0 : index
    %get3A_136 = vector.load %arg8[%get3A_134, %get3A_135] : memref<2x768xf32, #tpu.memory_space<vmem>>, vector<1x768xf32>
    %get3A_137 = arith.constant 0 : index
    %get3A_138 = arith.constant 0 : index
    %get3A_139 = vector.load %arg8[%get3A_137, %get3A_138] : memref<2x768xf32, #tpu.memory_space<vmem>>, vector<1x768xf32>
    %sub3A_140 = arith.subf %get3A_136, %get3A_139 : vector<1x768xf32>
    %mul3A_141 = vector.broadcast %convert_element_type3A_130 : vector<512x1xf32> to vector<512x768xf32>
    %mul3A_142 = vector.broadcast %sub3A_140 : vector<1x768xf32> to vector<512x768xf32>
    %mul3A_143 = arith.mulf %mul3A_141, %mul3A_142 : vector<512x768xf32>
    %add3A_144 = vector.broadcast %get3A_133 : vector<1x768xf32> to vector<512x768xf32>
    %add3A_145 = arith.addf %add3A_144, %mul3A_143 : vector<512x768xf32>
    %add3A_146 = arith.addf %add3A_29, %dot_general3A_129 : vector<512x768xf32>
    %add3A_147 = arith.addf %add3A_146, %add3A_145 : vector<512x768xf32>
    %swap3A_148 = arith.constant 0 : index
    %swap3A_149 = arith.constant 0 : index
    %swap3A_150 = vector.load %arg10[%swap3A_148, %swap3A_149] : memref<512x768xf32, #tpu.memory_space<vmem>>, vector<512x768xf32>
    tpu.vector_store %arg10[%swap3A_148, %swap3A_149], %add3A_147 {strides = array<i32>} : memref<512x768xf32, #tpu.memory_space<vmem>>, vector<512x768xf32>,
    return
  }
  func.func @transform_0(%arg0: i32) -> (i32, i32) {
    %c0_i32 = arith.constant 0 : i32
    %c0_i32_0 = arith.constant 0 : i32
    return %arg0, %c0_i32 : i32, i32
  }
  func.func @transform_1(%arg0: i32) -> (i32, i32, i32) {
    %c0_i32 = arith.constant 0 : i32
    %c0_i32_0 = arith.constant 0 : i32
    %c0_i32_1 = arith.constant 0 : i32
    return %arg0, %c0_i32, %c0_i32_0 : i32, i32, i32
  }
  func.func @transform_2(%arg0: i32) -> (i32, i32) {
    %c0_i32 = arith.constant 0 : i32
    %c0_i32_0 = arith.constant 0 : i32
    %c0_i32_1 = arith.constant 0 : i32
    return %c0_i32, %c0_i32_0 : i32, i32
  }
  func.func @transform_3(%arg0: i32) -> (i32, i32) {
    %c0_i32 = arith.constant 0 : i32
    %c0_i32_0 = arith.constant 0 : i32
    %c0_i32_1 = arith.constant 0 : i32
    return %c0_i32, %c0_i32_0 : i32, i32
  }
  func.func @transform_4(%arg0: i32) -> (i32, i32) {
    %c0_i32 = arith.constant 0 : i32
    %c0_i32_0 = arith.constant 0 : i32
    %c0_i32_1 = arith.constant 0 : i32
    return %c0_i32, %c0_i32_0 : i32, i32
  }
  func.func @transform_5(%arg0: i32) -> (i32, i32) {
    %c0_i32 = arith.constant 0 : i32
    %c0_i32_0 = arith.constant 0 : i32
    %c0_i32_1 = arith.constant 0 : i32
    return %c0_i32, %c0_i32_0 : i32, i32
  }
  func.func @transform_6(%arg0: i32) -> (i32, i32) {
    %c0_i32 = arith.constant 0 : i32
    %c0_i32_0 = arith.constant 0 : i32
    %c0_i32_1 = arith.constant 0 : i32
    return %c0_i32, %c0_i32_0 : i32, i32
  }
  func.func @transform_7(%arg0: i32) -> (i32, i32) {
    %c0_i32 = arith.constant 0 : i32
    %c0_i32_0 = arith.constant 0 : i32
    %c0_i32_1 = arith.constant 0 : i32
    return %c0_i32, %c0_i32_0 : i32, i32
  }
  func.func @transform_8(%arg0: i32) -> (i32, i32) {
    %c0_i32 = arith.constant 0 : i32
    %c0_i32_0 = arith.constant 0 : i32
    return %arg0, %c0_i32 : i32, i32
  }
  func.func @transform_9(%arg0: i32) -> (i32, i32) {
    %c0_i32 = arith.constant 0 : i32
    %c0_i32_0 = arith.constant 0 : i32
    return %arg0, %c0_i32 : i32, i32
  }
}

</mosaic_0001>

<sc_bundles>
// kernel: sparse-core-data-format-call.1.cloned.1.call-start
scs
called_computation.1_lowered:
.L_overlay_start_0:
0x0: {  	s2 =	sld [smem:$0x3FD9]  }
0x1: {  	s3 =	sld [smem:$0x3FFE];
	_ =	sdelay $0x1  }
0x2: {  	s1 =	srdreg.scid  }
0x3: {  	s0 =	sand.u32 $0x1, s1  }
0x4: {  	s15 =	sshll.u32 s0, $0xA;
	s2 =	sadd.s32 s3, s2  }
0x5: {  	s2 =	sadd.s32 s2, s15  }
0x6: {  	[smem:$0x3FB9] =	sst s2  }
0x7: {  	_ = 	snop  }
0x8: {  	s2 =	sld [smem:$0x3FD0];
	_ =	sdelay $0x2  }
0x9: {  	s16 =	simm.s32 $0xB;
	s4 =	simm.s32 $0x10  }
0xa: {  	[smem:s4], [sflag:s16] =	dma.local [hbm:s2], $0x1  }
0xb: {  	_ =	swait.eq [sflag:s16], $0x1  }
0xc: {  	[sflag:s16] =	ssyncset.done $0x0  }
0xd: {  	[sflag:s16] =	ssyncadd.s32 $0xFFFFFFFF  }
0xe: {  	s17 =	sld [smem:$0x10];
	(tm) =	ssettm $0x1  }
0xf: {  	s18 =	sld [smem:$0x3FFB];
	_ =	sdelay $0x3  }
0x10: {  	_ =	strace s18  }
0x11: {  	s3 =	sld [smem:$0x3FFC];
	_ =	sdelay $0x3  }
0x12: {  	_ =	strace s3  }
0x13: {  	s3 =	sld [smem:$0x3FFD];
	_ =	sdelay $0x3  }
0x14: {  	_ =	strace s3  }
0x15: {  	_ =	strace $0x8FFFFFFF  }
0x16: {  	s19 =	sld [smem:$0x3FDB];
	_ =	sdelay $0x1  }
0x17: {  	s20 =	simm.s32 $_scs_section_size  }
0x18: {  	s5 =	simm.s32 $_size__tile_overlayer_lowered;
	s6 =	simm.s32 $_tile_overlayer_lowered  }
0x19: {  	s23 =	simm.s32 $0x1BFF;
	s22 =	sshll.u32 s6, $0x1;
	s3 =	sadd.s32 s20, s19  }
0x1a: {  	s7 =	simm.s32 $0x0;
	s21 =	sshll.u32 s5, $0x1;
	s5 =	sadd.s32 s22, s3  }
0x1b: {  	[timem:s7], [sflag:s23] =	dma.local [hbm:s5], s21  }
0x1c: {  	_ =	swait.ge [sflag:s23], s21  }
0x1d: {  	s4 =	ssub.s32 $0x0, s21;
	[sflag:s23] =	ssyncset.done $0x0  }
0x1e: {  	[sflag:s23] =	ssyncadd.s32 s4;
	_ =	sdelay $0x1  }
0x1f: {  	s24 =	simm.s32 $0x1B8B  }
0x20: {  	_ =	swait.ge [sflag:s24], $0x1  }
0x21: {  	[sflag:s24] =	ssyncset.done $0x0  }
0x22: {  	s26 =	simm.s32 $0x1B8E;
	s25 =	sld [smem:$0x3FFE];
	[sflag:s24] =	ssyncadd.s32 $0xFFFFFFFF  }
0x23: {  	s27 =	simm.s32 $execute0_lowered;
	[smem:$0x3FD2] =	sst s26  }
0x24: {  	s5 =	sshll.u32 s27, $0x1;
	_ =	strace $0x80000046;
	[dreg:$0x1] =	wrdreg $0xFFFFFFFF  }
0x25: {  	s28 =	simm.s32 $_size_execute0_lowered;
	s3 =	sadd.s32 s3, s5;
	[dreg:$0x0] =	wrdreg $0x0  }
0x26: {  	s5 =	sshll.u32 s28, $0x1;
	[dreg:$0x2] =	wrdreg s3  }
0x27: {  	[dreg:$0x3] =	wrdreg s5  }
0x28: {  	[dreg:$0x4] =	wrdreg $0xC0  }
0x29: {  	_ =	task [dreg:s7], $0x5FFFF  }
0x2a: {  	[dreg:$0x1] =	wrdreg $0xFFFFFFFF  }
0x2b: {  	[dreg:$0x0] =	wrdreg $0x60  }
0x2c: {  	[dreg:$0x2] =	wrdreg s25  }
0x2d: {  	[dreg:$0x3] =	wrdreg s17  }
0x2e: {  	[dreg:$0x4] =	wrdreg $0xA  }
0x2f: {  	_ =	task.clear_ibuf [dreg:s7], $0x5FFFF;
	_ =	strace $0x90000046  }
0x30: {  	s29 =	simm.s32 $0xA;
	_ =	strace $0x80000048  }
0x31: {  	_ =	swait.ge [sflag:s29], $0x1  }
0x32: {  	[sflag:s29] =	ssyncadd.s32 $0xFFFFFFFF  }
0x33: {  	_ =	strace $0x90000048  }
0x34: {  	_ =	sfence  }
0x35: {  	s30 =	sld [smem:$0x0];
	_ =	sdelay $0x2  }
0x36: {  	s31 =	sshll.u32 s1, $0xD;
	s1 =	sshrl.u32 s1, $0x2  }
0x37: {  	s3 =	sand.u32 $0x4000, s31;
	s1 =	sadd.s32 s1, s30  }
0x38: {  	s0 =	sor.u32 s3, s0;
	s1 =	sshll.u32 s1, $0x11  }
0x39: {  	s0 =	sor.u32 s1, s0  }
0x3a: {  	s0 =	sadd.s32 $0x8F2B, s0  }
0x3b: {  	[sflag:s0] =	ssyncadd.remote.s32 $0x1  }
0x3c: {  	_ =	sfence.sel $0xFFFF  }
0x3d: {  	[dreg:$0x0] =	wrdreg $0xFFFFFFFF;
	(pc) =	sbr.abs _section_cstart, $3  }
0x3e: {  	[dreg:$0x1] =	wrdreg $0xFFFFFFFF  }
0x3f: {  	_ =	task.clear_ibuf [dreg:s7], $0x2FFFF;
	_ =	strace $0x9FFFFFFF  }
0x40: {  	(tm) =	ssettm $0x7FFFFFFF  }
0x41: {  	_ =	shalt  }
tec
execute0_lowered:
.L_overlay_start_1:
0x0: {  	(tag) =	ssettag $0x1  }
0x1: {  	s0 =	stileid.u32  }
0x2: {  	s1 =	srdreg.scid;
	s2 =	sshll.u32 s0, $0x7  }
0x3: {  	s7 =	rddreg [dreg:$0x0];
	s3 =	sshll.u32 s1, $0x4;
	s1 =	sand.u32 $0x380, s2  }
0x4: {  	s8 =	simm.s32 $0x2;
	s30 =	sand.u32 $0x10, s3;
	s31 =	ssub.s32 $0x400, s1  }
0x5: {  	s16 =	simm.s32 $0x0;
	s2 =	sor.u32 s0, s30;
	s4 =	sand.u32 $0x380, s31  }
0x6: {  	s2 =	sshrl.u32 s2, $0x3;
	p0 =	sne.s32 s4, $0x0;
	s4 =	simm.s32 $0x1  }
0x7: {  	s3 =	sshrl.u32 s31, $0xA;
	s5 =	ssub.s32 $0x50, s2;
	s4 =	simm.s32 @!p0 $0x0  }
0x8: {  	s9 =	simm.s32 $0x1800;
	s5 =	sshrl.u32 s5, $0x2;
	s3 =	sadd.s32 s4, s3  }
0x9: {  	s10 =	simm.s32 $0x0;
	s15 =	simm.s32 $0x0;
	s6 =	smul.u32 s3, s5  }
.Ltmp0:
0xa: {  	s17 =	simm.s32 $0x0;
	s4 =	rddreg [dreg:$0x1];
	(pc) =	sbr.rel .LBB1_1-.Ltmp0, $4  }
0xb: {  	s11 =	simm.s32 $0x0;
	s14 =	simm.s32 $0x0;
	s3 =	rddreg [dreg:$0x2]  }
0xc: {  	_ =	strace $0x80000047;
	s5 =	simm.s32 $0x1;
	s6 =	smul.u32 $0x6, s6  }
0xd: {  	s7 =	sadd.s32 $0x2C00, s7;
	s13 =	smov.u32 s1;
	[sflag:s5] =	ssyncpa.u1 $0x0  }
0xe: {  	s12 =	smov.u32 s2;
	[sflag:s8] =	ssyncpa.u1 $0x0;
	s8 =	sor.u32 $0x1, s6  }
.LBB1_4:
0xf: {  	_ =	sdelay $0x2  }
0x10: {  	s21 =	sshrl.u32 s17, $0x3  }
0x11: {  	[tilespmem:v0+s20+$0xFFFFFFD0 ss:$0x1] =	vst.idx.msk $0xffff, v7;
	s22 =	sshll.u32 s16, $0x3;
	s21 =	smul.u32 $0x1800, s21  }
0x12: {  	v56 =	vld.idx.msk [tilespmem:v1+s19+$0x0 ss:$0x1], $0xffff;
	[tilespmem:v0+s20+$0xFFFFFFE0 ss:$0x1] =	vst.idx.msk $0xffff, v5;
	s27 =	sshll.u32 s17, $0x7;
	s22 =	sand.u32 $0xFFFFFC00, s22  }
0x13: {  	v57 =	vld.idx.msk [tilespmem:v1+s19+$0xFFFFFF90 ss:$0x1], $0xffff;
	[tilespmem:v0+s20+$0xFFFFFFF0 ss:$0x1] =	vst.idx.msk $0xffff, v4;
	s17 =	sand.u32 $0x380, s27;
	s21 =	sadd.s32 s21, s22  }
0x14: {  	v58 =	vld.idx.msk [tilespmem:v1+s19+$0xFFFFFFA0 ss:$0x1], $0xffff;
	[tilespmem:v0+s20+$0x0 ss:$0x1] =	vst.idx.msk $0xffff, v2;
	s28 =	sand.u32 $0x7F, s16;
	s17 =	sor.u32 s17, s21  }
0x15: {  	v59 =	vld.idx.msk [tilespmem:v1+s19+$0xFFFFFFB0 ss:$0x1], $0xffff;
	[tilespmem:v0+s20+$0x10 ss:$0x1] =	vst.idx.msk $0xffff, v3;
	s16 =	sor.u32 s28, s17  }
0x16: {  	v60 =	vld.idx.msk [tilespmem:v1+s19+$0xFFFFFFC0 ss:$0x1], $0xffff;
	[tilespmem:v0+s20+$0x20 ss:$0x1] =	vst.idx.msk $0xffff, v6;
	s29 =	smulhi.u32 $0xAAAAAAAB, s16  }
0x17: {  	v61 =	vld.idx.msk [tilespmem:v1+s19+$0xFFFFFFD0 ss:$0x1], $0xffff;
	[tilespmem:v0+s19+$0x30 ss:$0x1] =	vst.idx.msk $0xffff, v56;
	s17 =	smulhi.u32 $0xAAAAAAAB, s17  }
0x18: {  	v62 =	vld.idx.msk [tilespmem:v1+s19+$0xFFFFFFE0 ss:$0x1], $0xffff;
	[tilespmem:v0+s19+$0xFFFFFFC0 ss:$0x1] =	vst.idx.msk $0xffff, v57;
	s20 =	sshrl.u32 s29, $0x9  }
0x19: {  	v63 =	vld.idx.msk [tilespmem:v1+s19+$0xFFFFFFF0 ss:$0x1], $0xffff;
	[tilespmem:v0+s19+$0xFFFFFFD0 ss:$0x1] =	vst.idx.msk $0xffff, v58;
	s17 =	sshrl.u32 s17, $0x9;
	s20 =	smul.u32 $0x300, s20  }
0x1a: {  	s15 =	smul.u32 $0x18000, s15;
	[tilespmem:v0+s19+$0xFFFFFFE0 ss:$0x1] =	vst.idx.msk $0xffff, v59;
	s17 =	sand.u32 $0x3FF, s17  }
0x1b: {  	[tilespmem:v0+s19+$0xFFFFFFF0 ss:$0x1] =	vst.idx.msk $0xffff, v60;
	s17 =	smul.u32 $0x60, s17;
	s16 =	ssub.s32 s16, s20  }
0x1c: {  	s15 =	sadd.s32 s4, s15;
	[tilespmem:v0+s19+$0x0 ss:$0x1] =	vst.idx.msk $0xffff, v61;
	s20 =	sand.u32 $0x7, s16  }
0x1d: {  	[tilespmem:v0+s19+$0x10 ss:$0x1] =	vst.idx.msk $0xffff, v62;
	s15 =	sadd.s32 s17, s15;
	s16 =	sshrl.u32 s16, $0x3;
	s30 =	sshll.u32 s20, $0x12  }
0x1e: {  	[tilespmem:v0+s19+$0x20 ss:$0x1] =	vst.idx.msk $0xffff, v63;
	s15 =	sadd.s32 s16, s15;
	s31 =	sor.u32 $0x400, s30  }
0x1f: {  	[hbm4b:s15+s31] =	stream.strided.scatter [tilespmem:s18], [sflag:$0x2], $0x4000, s9, s31, $0x38;
	[tilespmem:$0x10000] =	vst v63  }
.LBB1_5:
0x20: {  	s18 =	sadd.s32 $0x80, s11  }
0x21: {  	s15 =	sadd.s32 $0x4, s12;
	s19 =	smov.u32 s12;
	p1 =	sgt.s32 s18, $0x2FF  }
0x22: {  	s19 =	smov.u32 @p1 s15  }
0x23: {  	s21 =	smov.u32 s13;
	s15 =	sadd.s32 $0x400, s13;
	p2 =	sgt.s32 s19, $0x4C  }
0x24: {  	s21 =	smov.u32 @p2 s15  }
0x25: {  	s18 =	simm.s32 @p1 $0x0;
	p1 =	sgt.s32 s21, $0x3FF  }
0x26: {  	p0 =	slt.u32 s14, $0x2;
	s21 =	smov.u32 @p1 s1;
	p1 =	sne.s32 s14, s8  }
.Ltmp1:
0x27: {  	s20 =	simm.s32 @!p0 $0x2;
	(pc) =	sbr.rel @!p1 .LBB1_6-.Ltmp1, $4  }
0x28: {  	s16 =	smov.u32 s11;
	s17 =	smov.u32 s13;
	_ =	swait.ge @!p0 [sflag:s20], $0x4000  }
0x29: {  	s10 =	sadd.s32 $0x4000, s10;
	[sflag:s20] =	ssyncset.done @!p0 $0x0;
	s11 =	smov.u32 s18  }
0x2a: {  	s19 =	smov.u32 @p2 s2;
	s15 =	smov.u32 s12;
	[sflag:s20] =	ssyncadd.s32 @!p0 $0xFFFFC000  }
0x2b: {  	s12 =	smov.u32 s19;
	s14 =	sadd.s32 $0x1, s14;
	s13 =	smov.u32 s21  }
.LBB1_1:
0x2c: {  	p0 =	sge.u32 s14, s6  }
0x2d: {  	s18 =	sshrl.u32 @!p0 s12, $0x3  }
0x2e: {  	s19 =	sshll.u32 @!p0 s11, $0x3;
	s18 =	smul.u32 @!p0 $0x1800, s18  }
0x2f: {  	s20 =	sshll.u32 @!p0 s12, $0x7;
	s19 =	sand.u32 @!p0 $0xFFFFFC00, s19  }
0x30: {  	s18 =	sadd.s32 @!p0 s18, s19;
	s19 =	sand.u32 @!p0 $0x380, s20  }
0x31: {  	s18 =	sor.u32 @!p0 s19, s18  }
0x32: {  	s19 =	sand.u32 @!p0 $0x7F, s11;
	s20 =	smulhi.u32 @!p0 $0xAAAAAAAB, s18  }
0x33: {  	s18 =	sor.u32 @!p0 s19, s18  }
0x34: {  	s19 =	smulhi.u32 @!p0 $0xAAAAAAAB, s18;
	s20 =	sshrl.u32 @!p0 s20, $0x9  }
0x35: {  	s21 =	smulhi.u32 @!p0 $0x3333334, s20;
	_ =	sdelay $0x1  }
0x36: {  	s19 =	sshrl.u32 @!p0 s19, $0x9;
	s21 =	smul.u32 @!p0 $0x50, s21  }
0x37: {  	s31 =	sadd.s32 $0xFFFFFFFF, s14;
	s19 =	smul.u32 @!p0 $0x300, s19  }
0x38: {  	s22 =	sxor.u32 @!p0 $0xFFFFFFFF, s14;
	s20 =	ssub.s32 @!p0 s20, s21;
	s21 =	smul.u32 @!p0 $0x1E00, s13  }
0x39: {  	s22 =	sshll.u32 @!p0 s22, $0xE;
	s18 =	ssub.s32 @!p0 s18, s19;
	s19 =	smul.u32 @!p0 $0x60, s20  }
0x3a: {  	s20 =	sand.u32 @!p0 $0x4000, s22;
	s22 =	sand.u32 @!p0 $0x7, s18;
	s21 =	sadd.s32 @!p0 s7, s21  }
0x3b: {  	s18 =	sshrl.u32 @!p0 s18, $0x3;
	s19 =	sadd.s32 @!p0 s19, s21;
	s21 =	sshll.u32 @!p0 s22, $0x12  }
0x3c: {  	s18 =	sadd.s32 @!p0 s18, s19;
	s19 =	sor.u32 @!p0 $0x80, s21;
	s21 =	simm.s32 @!p0 $0xF000  }
0x3d: {  	[tilespmem:s20], [sflag:$0x1] =	stream.strided.gather @!p0 [hbm4b:s18+s19], $0x4000, s21, s19, $0x38;
	[tilespmem:$0x10000] =	vst v63  }
0x3e: {  	p0 =	sge.u32 s31, s6  }
.Ltmp2:
0x3f: {  	_ = 	snop;
	(pc) =	sbr.rel @p0 .LBB1_5-.Ltmp2, $1  }
0x40: {  	_ =	sdelay $0x3  }
0x41: {  	s18 =	sand.u32 $0x4000, s10  }
0x42: {  	s19 =	sor.u32 $0x70, s18  }
0x43: {  	v1 =	vmov s19;
	_ =	sdelay $0x1  }
0x44: {  	_ =	swait.ge [sflag:s5], $0x4000  }
0x45: {  	[sflag:s5] =	ssyncset.done $0x0  }
0x46: {  	s20 =	simm.s32 $0x0;
	[sflag:s5] =	ssyncadd.s32 $0xFFFFC000  }
0x47: {  	s18 =	sor.u32 $0x8040, s18;
	v6 =	vld.idx.msk [tilespmem:v1+s20+$0x0 ss:$0x1], $0xffff  }
0x48: {  	v0 =	vmov s18;
	v8 =	vld.idx.msk [tilespmem:v1+s20+$0xFFFFFF90 ss:$0x1], $0xffff  }
0x49: {  	v7 =	vld.idx.msk [tilespmem:v1+s20+$0xFFFFFFA0 ss:$0x1], $0xffff  }
0x4a: {  	v5 =	vld.idx.msk [tilespmem:v1+s20+$0xFFFFFFB0 ss:$0x1], $0xffff  }
0x4b: {  	v4 =	vld.idx.msk [tilespmem:v1+s20+$0xFFFFFFC0 ss:$0x1], $0xffff  }
0x4c: {  	s31 =	sshll.u32 s14, $0xE;
	v2 =	vld.idx.msk [tilespmem:v1+s20+$0xFFFFFFD0 ss:$0x1], $0xffff  }
0x4d: {  	s18 =	sand.u32 $0x4000, s31;
	v3 =	vld.idx.msk [tilespmem:v1+s20+$0xFFFFFFE0 ss:$0x1], $0xffff;
	[tilespmem:v0+s20+$0x30 ss:$0x1] =	vst.idx.msk $0xffff, v6  }
0x4e: {  	s21 =	simm.s32 $0x400;
	s19 =	simm.s32 $0x80;
	s18 =	sor.u32 $0x8000, s18;
	[tilespmem:v0+s20+$0xFFFFFFC0 ss:$0x1] =	vst.idx.msk $0xffff, v8;
	v6 =	vld.idx.msk [tilespmem:v1+s20+$0xFFFFFFF0 ss:$0x1], $0xffff  }
.LBB1_3:
0x4f: {  	p0 =	sne.s32 s21, $0xFE00;
	v8 =	vld.idx.msk [tilespmem:v1+s19+$0x0 ss:$0x1], $0xffff;
	[tilespmem:v0+s20+$0xFFFFFFD0 ss:$0x1] =	vst.idx.msk $0xffff, v7  }
0x50: {  	v9 =	vld.idx.msk [tilespmem:v1+s19+$0xFFFFFF90 ss:$0x1], $0xffff;
	[tilespmem:v0+s20+$0xFFFFFFE0 ss:$0x1] =	vst.idx.msk $0xffff, v5  }
0x51: {  	v7 =	vld.idx.msk [tilespmem:v1+s19+$0xFFFFFFA0 ss:$0x1], $0xffff;
	[tilespmem:v0+s20+$0xFFFFFFF0 ss:$0x1] =	vst.idx.msk $0xffff, v4  }
.Ltmp3:
0x52: {  	v5 =	vld.idx.msk [tilespmem:v1+s19+$0xFFFFFFB0 ss:$0x1], $0xffff;
	[tilespmem:v0+s20+$0x0 ss:$0x1] =	vst.idx.msk $0xffff, v2;
	(pc) =	sbr.rel @p0 .LBB1_3-.Ltmp3, $4  }
0x53: {  	v4 =	vld.idx.msk [tilespmem:v1+s19+$0xFFFFFFC0 ss:$0x1], $0xffff;
	[tilespmem:v0+s20+$0x10 ss:$0x1] =	vst.idx.msk $0xffff, v3  }
0x54: {  	v2 =	vld.idx.msk [tilespmem:v1+s19+$0xFFFFFFD0 ss:$0x1], $0xffff;
	[tilespmem:v0+s20+$0x20 ss:$0x1] =	vst.idx.msk $0xffff, v6;
	s20 =	smov.u32 s19  }
0x55: {  	v3 =	vld.idx.msk [tilespmem:v1+s20+$0xFFFFFFE0 ss:$0x1], $0xffff;
	[tilespmem:v0+s20+$0x30 ss:$0x1] =	vst.idx.msk $0xffff, v8  }
0x56: {  	s19 =	sshra.s32 s21, $0x2;
	s21 =	sadd.s32 $0x200, s21;
	[tilespmem:v0+s20+$0xFFFFFFC0 ss:$0x1] =	vst.idx.msk $0xffff, v9;
	v6 =	vld.idx.msk [tilespmem:v1+s20+$0xFFFFFFF0 ss:$0x1], $0xffff  }
.Ltmp4:
0x57: {  	_ = 	snop;
	(pc) =	sbr.rel .LBB1_4-.Ltmp4, $1  }
0x58: {  	_ =	sdelay $0x3  }
.LBB1_6:
0x59: {  	_ =	sfence.sel $0x180000  }
0x5a: {  	s1 =	simm.s32 $0x1;
	[bflag:$0x0] =	sbarrier.arrive $0xFFFF  }
0x5b: {  	s31 =	simm.s32 $0x2;
	[sflag:s1] =	ssyncpa.u1 $0x1  }
0x5c: {  	[sflag:s31] =	ssyncpa.u1 $0x1  }
0x5d: {  	p0 =	sne.s32 s0, $0x0;
	_ =	strace $0x90000047  }
0x5e: {  	s0 =	sadd.s32 @!p0 $0x100000, s3;
	[bflag:$0x2] =	sbarrier.arrive $0xFFFF  }
0x5f: {  	[sflag:s0] =	ssyncadd.tile.s32 @!p0 $0x1;
	_ =	shalt  }
.Lfunc_end1:
_tile_overlayer_lowered:
.L_overlay_start_2:
0x60: {  	(tag) =	ssettag $0x2  }
0x61: {  	s0 =	rddreg [dreg:$0x0];
	s2 =	stileid.u32  }
0x62: {  	s1 =	rddreg [dreg:$0x1];
	p0 =	sne.s32 s2, $0x0  }
0x63: {  	s3 =	rddreg [dreg:$0x2];
	[bflag:$0x3] =	sbarrier.arrive $0xFFFF;
	s2 =	simm.s32 @!p0 $0x1C01  }
0x64: {  	[timem:s3], [sflag:s2] =	dma.local @!p0 [hbm:s0], s1  }
0x65: {  	s0 =	simm.s32 @!p0 $0x1  }
0x66: {  	_ =	swait.ge @!p0 [sflag:s0], s1  }
0x67: {  	s1 =	ssub.s32 @!p0 $0x0, s1;
	[sflag:s0] =	ssyncset.done @!p0 $0x0  }
0x68: {  	[sflag:s0] =	ssyncadd.s32 @!p0 s1  }
0x69: {  	[bflag:$0x3] =	sbarrier.arrive $0xFFFF  }
0x6a: {  	_ =	shalt  }

// kernel: sparse-core-data-format-call.cloned.1.call-start
scs
called_computation_lowered:
.L_overlay_start_0:
0x0: {  	s2 =	sld [smem:$0x3FD9]  }
0x1: {  	s3 =	sld [smem:$0x3FFE];
	_ =	sdelay $0x1  }
0x2: {  	s1 =	srdreg.scid  }
0x3: {  	s0 =	sand.u32 $0x1, s1  }
0x4: {  	s16 =	sshll.u32 s0, $0xA;
	s2 =	sadd.s32 s3, s2  }
0x5: {  	s2 =	sadd.s32 s2, s16  }
0x6: {  	[smem:$0x3FB9] =	sst s2  }
0x7: {  	_ = 	snop  }
0x8: {  	s2 =	sld [smem:$0x3FD0];
	_ =	sdelay $0x2  }
0x9: {  	s17 =	simm.s32 $0xB;
	s4 =	simm.s32 $0x10  }
0xa: {  	[smem:s4], [sflag:s17] =	dma.local [hbm:s2], $0x1  }
0xb: {  	_ =	swait.eq [sflag:s17], $0x1  }
0xc: {  	[sflag:s17] =	ssyncset.done $0x0  }
0xd: {  	[sflag:s17] =	ssyncadd.s32 $0xFFFFFFFF  }
0xe: {  	s18 =	sld [smem:$0x11];
	(tm) =	ssettm $0x1  }
0xf: {  	s19 =	sld [smem:$0x3FFB];
	_ =	sdelay $0x3  }
0x10: {  	_ =	strace s19  }
0x11: {  	s2 =	sld [smem:$0x3FFC];
	_ =	sdelay $0x3  }
0x12: {  	_ =	strace s2  }
0x13: {  	s2 =	sld [smem:$0x3FFD];
	_ =	sdelay $0x3  }
0x14: {  	_ =	strace s2  }
0x15: {  	_ =	strace $0x8FFFFFFF  }
0x16: {  	s20 =	sld [smem:$0x3FDB];
	_ =	sdelay $0x1  }
0x17: {  	s21 =	simm.s32 $_scs_section_size  }
0x18: {  	s5 =	simm.s32 $_size__tile_overlayer_lowered;
	s6 =	simm.s32 $_tile_overlayer_lowered  }
0x19: {  	s7 =	simm.s32 $0x1BFF;
	s22 =	sshll.u32 s6, $0x1;
	s4 =	sadd.s32 s21, s20  }
0x1a: {  	s23 =	simm.s32 $0x0;
	s5 =	sshll.u32 s5, $0x1;
	s6 =	sadd.s32 s22, s4  }
0x1b: {  	[timem:s23], [sflag:s7] =	dma.local [hbm:s6], s5  }
0x1c: {  	_ =	swait.ge [sflag:s7], s5  }
0x1d: {  	s5 =	ssub.s32 $0x0, s5;
	[sflag:s7] =	ssyncset.done $0x0  }
0x1e: {  	[sflag:s7] =	ssyncadd.s32 s5;
	_ =	sdelay $0x1  }
0x1f: {  	s24 =	simm.s32 $0x1B8B  }
0x20: {  	_ =	swait.ge [sflag:s24], $0x1  }
0x21: {  	[sflag:s24] =	ssyncset.done $0x0  }
0x22: {  	[sflag:s24] =	ssyncadd.s32 $0xFFFFFFFF  }
0x23: {  	s5 =	sld [smem:$0x0]  }
0x24: {  	s6 =	sand.u32 $0xFFFFFFFE, s1  }
0x25: {  	p0 =	sne.s32 s1, s6  }
0x26: {  	s6 =	sshll.u32 @p0 s6, $0xE  }
0x27: {  	s6 =	sadd.s32 @p0 $0x11B8D, s6;
	s7 =	sshll.u32 @p0 s5, $0x11  }
0x28: {  	s6 =	sor.u32 @p0 s7, s6  }
0x29: {  	[sflag:s6] =	ssyncadd.remote.s32 @p0 $0x1;
	_ =	sdelay $0x1  }
0x2a: {  	s6 =	simm.s32 @p0 $0x1B8D  }
0x2b: {  	_ =	swait.eq @p0 [sflag:s6], $0x1  }
0x2c: {  	[sflag:s6] =	ssyncadd.s32 @p0 $0xFFFFFFFF  }
0x2d: {  	s7 =	sshll.u32 @!p0 s1, $0xE  }
0x2e: {  	s7 =	sor.u32 @!p0 $0x4000, s7;
	s6 =	simm.s32 @!p0 $0x1B8D  }
0x2f: {  	s5 =	sshll.u32 @!p0 s5, $0x11;
	s7 =	sadd.s32 @!p0 $0x11B8D, s7;
	_ =	swait.eq @!p0 [sflag:s6], $0x1  }
0x30: {  	s5 =	sor.u32 @!p0 s5, s7;
	[sflag:s6] =	ssyncadd.s32 @!p0 $0xFFFFFFFF  }
0x31: {  	s26 =	simm.s32 $0x1B8E;
	s25 =	sld [smem:$0x3FFE];
	[sflag:s5] =	ssyncadd.remote.s32 @!p0 $0x1  }
0x32: {  	s27 =	simm.s32 $execute0_lowered;
	[smem:$0x3FD2] =	sst s26  }
0x33: {  	s6 =	sshll.u32 s27, $0x1;
	_ =	strace $0x80000049;
	[dreg:$0x1] =	wrdreg $0xFFFFFFFF  }
0x34: {  	s28 =	simm.s32 $_size_execute0_lowered;
	s4 =	sadd.s32 s4, s6;
	[dreg:$0x0] =	wrdreg $0x0  }
0x35: {  	s6 =	sshll.u32 s28, $0x1;
	[dreg:$0x2] =	wrdreg s4  }
0x36: {  	[dreg:$0x3] =	wrdreg s6  }
0x37: {  	[dreg:$0x4] =	wrdreg $0xC0  }
0x38: {  	_ =	task [dreg:s23], $0x5FFFF  }
0x39: {  	[dreg:$0x1] =	wrdreg $0xFFFFFFFF  }
0x3a: {  	[dreg:$0x0] =	wrdreg $0x60  }
0x3b: {  	[dreg:$0x2] =	wrdreg s25  }
0x3c: {  	[dreg:$0x3] =	wrdreg s18  }
0x3d: {  	[dreg:$0x4] =	wrdreg $0x9  }
0x3e: {  	_ =	task.clear_ibuf [dreg:s23], $0x5FFFF;
	_ =	strace $0x90000049  }
0x3f: {  	s29 =	simm.s32 $0x9;
	_ =	strace $0x8000004B  }
0x40: {  	_ =	swait.ge [sflag:s29], $0x1  }
0x41: {  	[sflag:s29] =	ssyncadd.s32 $0xFFFFFFFF  }
0x42: {  	_ =	strace $0x9000004B  }
0x43: {  	_ =	sfence  }
0x44: {  	s30 =	sld [smem:$0x0];
	_ =	sdelay $0x2  }
0x45: {  	s31 =	sshll.u32 s1, $0xD;
	s1 =	sshrl.u32 s1, $0x2  }
0x46: {  	s4 =	sand.u32 $0x4000, s31;
	s1 =	sadd.s32 s1, s30  }
0x47: {  	s0 =	sor.u32 s4, s0;
	s1 =	sshll.u32 s1, $0x11  }
0x48: {  	s0 =	sor.u32 s1, s0  }
0x49: {  	s0 =	sadd.s32 $0x8F2B, s0  }
0x4a: {  	[sflag:s0] =	ssyncadd.remote.s32 $0x1  }
0x4b: {  	_ =	sfence.sel $0xFFFF  }
0x4c: {  	[dreg:$0x0] =	wrdreg $0xFFFFFFFF;
	(pc) =	sbr.abs _section_cstart, $3  }
0x4d: {  	[dreg:$0x1] =	wrdreg $0xFFFFFFFF  }
0x4e: {  	_ =	task.clear_ibuf [dreg:s23], $0x2FFFF;
	_ =	strace $0x9FFFFFFF  }
0x4f: {  	(tm) =	ssettm $0x7FFFFFFF  }
tec
execute0_lowered:
.L_overlay_start_1:
0x0: {  	(tag) =	ssettag $0x1  }
0x1: {  	s0 =	stileid.u32  }
0x2: {  	s1 =	srdreg.scid;
	s2 =	sshll.u32 s0, $0x7  }
0x3: {  	s7 =	rddreg [dreg:$0x0];
	s3 =	sshll.u32 s1, $0x4;
	s1 =	sand.u32 $0x380, s2  }
0x4: {  	s8 =	simm.s32 $0x2;
	s30 =	sand.u32 $0x10, s3;
	s31 =	ssub.s32 $0x400, s1  }
0x5: {  	s16 =	simm.s32 $0x0;
	s2 =	sor.u32 s0, s30;
	s4 =	sand.u32 $0x380, s31  }
0x6: {  	s2 =	sshrl.u32 s2, $0x3;
	p0 =	sne.s32 s4, $0x0;
	s4 =	simm.s32 $0x1  }
0x7: {  	s3 =	sshrl.u32 s31, $0xA;
	s5 =	ssub.s32 $0x50, s2;
	s4 =	simm.s32 @!p0 $0x0  }
0x8: {  	s9 =	simm.s32 $0x1800;
	s5 =	sshrl.u32 s5, $0x2;
	s3 =	sadd.s32 s4, s3  }
0x9: {  	s10 =	simm.s32 $0x0;
	s15 =	simm.s32 $0x0;
	s6 =	smul.u32 s3, s5  }
.Ltmp0:
0xa: {  	s17 =	simm.s32 $0x0;
	s4 =	rddreg [dreg:$0x1];
	(pc) =	sbr.rel .LBB1_1-.Ltmp0, $4  }
0xb: {  	s11 =	simm.s32 $0x0;
	s14 =	simm.s32 $0x0;
	s3 =	rddreg [dreg:$0x2]  }
0xc: {  	_ =	strace $0x8000004A;
	s5 =	simm.s32 $0x1;
	s6 =	smul.u32 $0x6, s6  }
0xd: {  	s7 =	sadd.s32 $0x782C00, s7;
	s13 =	smov.u32 s1;
	[sflag:s5] =	ssyncpa.u1 $0x0  }
0xe: {  	s12 =	smov.u32 s2;
	[sflag:s8] =	ssyncpa.u1 $0x0;
	s8 =	sor.u32 $0x1, s6  }
.LBB1_4:
0xf: {  	_ =	sdelay $0x2  }
0x10: {  	s21 =	sshrl.u32 s17, $0x3  }
0x11: {  	[tilespmem:v0+s20+$0xFFFFFFD0 ss:$0x1] =	vst.idx.msk $0xffff, v7;
	s22 =	sshll.u32 s16, $0x3;
	s21 =	smul.u32 $0x1800, s21  }
0x12: {  	v56 =	vld.idx.msk [tilespmem:v1+s19+$0x0 ss:$0x1], $0xffff;
	[tilespmem:v0+s20+$0xFFFFFFE0 ss:$0x1] =	vst.idx.msk $0xffff, v5;
	s27 =	sshll.u32 s17, $0x7;
	s22 =	sand.u32 $0xFFFFFC00, s22  }
0x13: {  	v57 =	vld.idx.msk [tilespmem:v1+s19+$0xFFFFFF90 ss:$0x1], $0xffff;
	[tilespmem:v0+s20+$0xFFFFFFF0 ss:$0x1] =	vst.idx.msk $0xffff, v4;
	s17 =	sand.u32 $0x380, s27;
	s21 =	sadd.s32 s21, s22  }
0x14: {  	v58 =	vld.idx.msk [tilespmem:v1+s19+$0xFFFFFFA0 ss:$0x1], $0xffff;
	[tilespmem:v0+s20+$0x0 ss:$0x1] =	vst.idx.msk $0xffff, v2;
	s28 =	sand.u32 $0x7F, s16;
	s17 =	sor.u32 s17, s21  }
0x15: {  	v59 =	vld.idx.msk [tilespmem:v1+s19+$0xFFFFFFB0 ss:$0x1], $0xffff;
	[tilespmem:v0+s20+$0x10 ss:$0x1] =	vst.idx.msk $0xffff, v3;
	s16 =	sor.u32 s28, s17  }
0x16: {  	v60 =	vld.idx.msk [tilespmem:v1+s19+$0xFFFFFFC0 ss:$0x1], $0xffff;
	[tilespmem:v0+s20+$0x20 ss:$0x1] =	vst.idx.msk $0xffff, v6;
	s29 =	smulhi.u32 $0xAAAAAAAB, s16  }
0x17: {  	v61 =	vld.idx.msk [tilespmem:v1+s19+$0xFFFFFFD0 ss:$0x1], $0xffff;
	[tilespmem:v0+s19+$0x30 ss:$0x1] =	vst.idx.msk $0xffff, v56;
	s17 =	smulhi.u32 $0xAAAAAAAB, s17  }
0x18: {  	v62 =	vld.idx.msk [tilespmem:v1+s19+$0xFFFFFFE0 ss:$0x1], $0xffff;
	[tilespmem:v0+s19+$0xFFFFFFC0 ss:$0x1] =	vst.idx.msk $0xffff, v57;
	s20 =	sshrl.u32 s29, $0x9  }
0x19: {  	v63 =	vld.idx.msk [tilespmem:v1+s19+$0xFFFFFFF0 ss:$0x1], $0xffff;
	[tilespmem:v0+s19+$0xFFFFFFD0 ss:$0x1] =	vst.idx.msk $0xffff, v58;
	s17 =	sshrl.u32 s17, $0x9;
	s20 =	smul.u32 $0x300, s20  }
0x1a: {  	s15 =	smul.u32 $0x18000, s15;
	[tilespmem:v0+s19+$0xFFFFFFE0 ss:$0x1] =	vst.idx.msk $0xffff, v59;
	s17 =	sand.u32 $0x3FF, s17  }
0x1b: {  	[tilespmem:v0+s19+$0xFFFFFFF0 ss:$0x1] =	vst.idx.msk $0xffff, v60;
	s17 =	smul.u32 $0x60, s17;
	s16 =	ssub.s32 s16, s20  }
0x1c: {  	s15 =	sadd.s32 s4, s15;
	[tilespmem:v0+s19+$0x0 ss:$0x1] =	vst.idx.msk $0xffff, v61;
	s20 =	sand.u32 $0x7, s16  }
0x1d: {  	[tilespmem:v0+s19+$0x10 ss:$0x1] =	vst.idx.msk $0xffff, v62;
	s15 =	sadd.s32 s17, s15;
	s16 =	sshrl.u32 s16, $0x3;
	s30 =	sshll.u32 s20, $0x12  }
0x1e: {  	[tilespmem:v0+s19+$0x20 ss:$0x1] =	vst.idx.msk $0xffff, v63;
	s15 =	sadd.s32 s16, s15;
	s31 =	sor.u32 $0x400, s30  }
0x1f: {  	[hbm4b:s15+s31] =	stream.strided.scatter [tilespmem:s18], [sflag:$0x2], $0x4000, s9, s31, $0x38;
	[tilespmem:$0x10000] =	vst v63  }
.LBB1_5:
0x20: {  	s18 =	sadd.s32 $0x80, s11  }
0x21: {  	s15 =	sadd.s32 $0x4, s12;
	s19 =	smov.u32 s12;
	p1 =	sgt.s32 s18, $0x2FF  }
0x22: {  	s19 =	smov.u32 @p1 s15  }
0x23: {  	s21 =	smov.u32 s13;
	s15 =	sadd.s32 $0x400, s13;
	p2 =	sgt.s32 s19, $0x4C  }
0x24: {  	s21 =	smov.u32 @p2 s15  }
0x25: {  	s18 =	simm.s32 @p1 $0x0;
	p1 =	sgt.s32 s21, $0x3FF  }
0x26: {  	p0 =	slt.u32 s14, $0x2;
	s21 =	smov.u32 @p1 s1;
	p1 =	sne.s32 s14, s8  }
.Ltmp1:
0x27: {  	s20 =	simm.s32 @!p0 $0x2;
	(pc) =	sbr.rel @!p1 .LBB1_6-.Ltmp1, $4  }
0x28: {  	s16 =	smov.u32 s11;
	s17 =	smov.u32 s13;
	_ =	swait.ge @!p0 [sflag:s20], $0x4000  }
0x29: {  	s10 =	sadd.s32 $0x4000, s10;
	[sflag:s20] =	ssyncset.done @!p0 $0x0;
	s11 =	smov.u32 s18  }
0x2a: {  	s19 =	smov.u32 @p2 s2;
	s15 =	smov.u32 s12;
	[sflag:s20] =	ssyncadd.s32 @!p0 $0xFFFFC000  }
0x2b: {  	s12 =	smov.u32 s19;
	s14 =	sadd.s32 $0x1, s14;
	s13 =	smov.u32 s21  }
.LBB1_1:
0x2c: {  	p0 =	sge.u32 s14, s6  }
0x2d: {  	s18 =	sshrl.u32 @!p0 s12, $0x3  }
0x2e: {  	s19 =	sshll.u32 @!p0 s11, $0x3;
	s18 =	smul.u32 @!p0 $0x1800, s18  }
0x2f: {  	s20 =	sshll.u32 @!p0 s12, $0x7;
	s19 =	sand.u32 @!p0 $0xFFFFFC00, s19  }
0x30: {  	s18 =	sadd.s32 @!p0 s18, s19;
	s19 =	sand.u32 @!p0 $0x380, s20  }
0x31: {  	s18 =	sor.u32 @!p0 s19, s18  }
0x32: {  	s19 =	sand.u32 @!p0 $0x7F, s11;
	s20 =	smulhi.u32 @!p0 $0xAAAAAAAB, s18  }
0x33: {  	s18 =	sor.u32 @!p0 s19, s18  }
0x34: {  	s19 =	smulhi.u32 @!p0 $0xAAAAAAAB, s18;
	s20 =	sshrl.u32 @!p0 s20, $0x9  }
0x35: {  	s21 =	smulhi.u32 @!p0 $0x3333334, s20;
	_ =	sdelay $0x1  }
0x36: {  	s19 =	sshrl.u32 @!p0 s19, $0x9;
	s21 =	smul.u32 @!p0 $0x50, s21  }
0x37: {  	s31 =	sadd.s32 $0xFFFFFFFF, s14;
	s19 =	smul.u32 @!p0 $0x300, s19  }
0x38: {  	s22 =	sxor.u32 @!p0 $0xFFFFFFFF, s14;
	s20 =	ssub.s32 @!p0 s20, s21;
	s21 =	smul.u32 @!p0 $0x1E00, s13  }
0x39: {  	s22 =	sshll.u32 @!p0 s22, $0xE;
	s18 =	ssub.s32 @!p0 s18, s19;
	s19 =	smul.u32 @!p0 $0x60, s20  }
0x3a: {  	s20 =	sand.u32 @!p0 $0x4000, s22;
	s22 =	sand.u32 @!p0 $0x7, s18;
	s21 =	sadd.s32 @!p0 s7, s21  }
0x3b: {  	s18 =	sshrl.u32 @!p0 s18, $0x3;
	s19 =	sadd.s32 @!p0 s19, s21;
	s21 =	sshll.u32 @!p0 s22, $0x12  }
0x3c: {  	s18 =	sadd.s32 @!p0 s18, s19;
	s19 =	sor.u32 @!p0 $0x80, s21;
	s21 =	simm.s32 @!p0 $0xF000  }
0x3d: {  	[tilespmem:s20], [sflag:$0x1] =	stream.strided.gather @!p0 [hbm4b:s18+s19], $0x4000, s21, s19, $0x38;
	[tilespmem:$0x10000] =	vst v63  }
0x3e: {  	p0 =	sge.u32 s31, s6  }
.Ltmp2:
0x3f: {  	_ = 	snop;
	(pc) =	sbr.rel @p0 .LBB1_5-.Ltmp2, $1  }
0x40: {  	_ =	sdelay $0x3  }
0x41: {  	s18 =	sand.u32 $0x4000, s10  }
0x42: {  	s19 =	sor.u32 $0x70, s18  }
0x43: {  	v1 =	vmov s19;
	_ =	sdelay $0x1  }
0x44: {  	_ =	swait.ge [sflag:s5], $0x4000  }
0x45: {  	[sflag:s5] =	ssyncset.done $0x0  }
0x46: {  	s20 =	simm.s32 $0x0;
	[sflag:s5] =	ssyncadd.s32 $0xFFFFC000  }
0x47: {  	s18 =	sor.u32 $0x8040, s18;
	v6 =	vld.idx.msk [tilespmem:v1+s20+$0x0 ss:$0x1], $0xffff  }
0x48: {  	v0 =	vmov s18;
	v8 =	vld.idx.msk [tilespmem:v1+s20+$0xFFFFFF90 ss:$0x1], $0xffff  }
0x49: {  	v7 =	vld.idx.msk [tilespmem:v1+s20+$0xFFFFFFA0 ss:$0x1], $0xffff  }
0x4a: {  	v5 =	vld.idx.msk [tilespmem:v1+s20+$0xFFFFFFB0 ss:$0x1], $0xffff  }
0x4b: {  	v4 =	vld.idx.msk [tilespmem:v1+s20+$0xFFFFFFC0 ss:$0x1], $0xffff  }
0x4c: {  	s31 =	sshll.u32 s14, $0xE;
	v2 =	vld.idx.msk [tilespmem:v1+s20+$0xFFFFFFD0 ss:$0x1], $0xffff  }
0x4d: {  	s18 =	sand.u32 $0x4000, s31;
	v3 =	vld.idx.msk [tilespmem:v1+s20+$0xFFFFFFE0 ss:$0x1], $0xffff;
	[tilespmem:v0+s20+$0x30 ss:$0x1] =	vst.idx.msk $0xffff, v6  }
0x4e: {  	s21 =	simm.s32 $0x400;
	s19 =	simm.s32 $0x80;
	s18 =	sor.u32 $0x8000, s18;
	[tilespmem:v0+s20+$0xFFFFFFC0 ss:$0x1] =	vst.idx.msk $0xffff, v8;
	v6 =	vld.idx.msk [tilespmem:v1+s20+$0xFFFFFFF0 ss:$0x1], $0xffff  }
.LBB1_3:
0x4f: {  	p0 =	sne.s32 s21, $0xFE00;
	v8 =	vld.idx.msk [tilespmem:v1+s19+$0x0 ss:$0x1], $0xffff;
	[tilespmem:v0+s20+$0xFFFFFFD0 ss:$0x1] =	vst.idx.msk $0xffff, v7  }
0x50: {  	v9 =	vld.idx.msk [tilespmem:v1+s19+$0xFFFFFF90 ss:$0x1], $0xffff;
	[tilespmem:v0+s20+$0xFFFFFFE0 ss:$0x1] =	vst.idx.msk $0xffff, v5  }
0x51: {  	v7 =	vld.idx.msk [tilespmem:v1+s19+$0xFFFFFFA0 ss:$0x1], $0xffff;
	[tilespmem:v0+s20+$0xFFFFFFF0 ss:$0x1] =	vst.idx.msk $0xffff, v4  }
.Ltmp3:
0x52: {  	v5 =	vld.idx.msk [tilespmem:v1+s19+$0xFFFFFFB0 ss:$0x1], $0xffff;
	[tilespmem:v0+s20+$0x0 ss:$0x1] =	vst.idx.msk $0xffff, v2;
	(pc) =	sbr.rel @p0 .LBB1_3-.Ltmp3, $4  }
0x53: {  	v4 =	vld.idx.msk [tilespmem:v1+s19+$0xFFFFFFC0 ss:$0x1], $0xffff;
	[tilespmem:v0+s20+$0x10 ss:$0x1] =	vst.idx.msk $0xffff, v3  }
0x54: {  	v2 =	vld.idx.msk [tilespmem:v1+s19+$0xFFFFFFD0 ss:$0x1], $0xffff;
	[tilespmem:v0+s20+$0x20 ss:$0x1] =	vst.idx.msk $0xffff, v6;
	s20 =	smov.u32 s19  }
0x55: {  	v3 =	vld.idx.msk [tilespmem:v1+s20+$0xFFFFFFE0 ss:$0x1], $0xffff;
	[tilespmem:v0+s20+$0x30 ss:$0x1] =	vst.idx.msk $0xffff, v8  }
0x56: {  	s19 =	sshra.s32 s21, $0x2;
	s21 =	sadd.s32 $0x200, s21;
	[tilespmem:v0+s20+$0xFFFFFFC0 ss:$0x1] =	vst.idx.msk $0xffff, v9;
	v6 =	vld.idx.msk [tilespmem:v1+s20+$0xFFFFFFF0 ss:$0x1], $0xffff  }
.Ltmp4:
0x57: {  	_ = 	snop;
	(pc) =	sbr.rel .LBB1_4-.Ltmp4, $1  }
0x58: {  	_ =	sdelay $0x3  }
.LBB1_6:
0x59: {  	_ =	sfence.sel $0x180000  }
0x5a: {  	s1 =	simm.s32 $0x1;
	[bflag:$0x0] =	sbarrier.arrive $0xFFFF  }
0x5b: {  	s31 =	simm.s32 $0x2;
	[sflag:s1] =	ssyncpa.u1 $0x1  }
0x5c: {  	[sflag:s31] =	ssyncpa.u1 $0x1  }
0x5d: {  	p0 =	sne.s32 s0, $0x0;
	_ =	strace $0x9000004A  }
0x5e: {  	s0 =	sadd.s32 @!p0 $0x100000, s3;
	[bflag:$0x2] =	sbarrier.arrive $0xFFFF  }
0x5f: {  	[sflag:s0] =	ssyncadd.tile.s32 @!p0 $0x1;
	_ =	shalt  }
.Lfunc_end1:
_tile_overlayer_lowered:
.L_overlay_start_2:
0x60: {  	(tag) =	ssettag $0x2  }
0x61: {  	s0 =	rddreg [dreg:$0x0];
	s2 =	stileid.u32  }
0x62: {  	s1 =	rddreg [dreg:$0x1];
	p0 =	sne.s32 s2, $0x0  }
0x63: {  	s3 =	rddreg [dreg:$0x2];
	[bflag:$0x3] =	sbarrier.arrive $0xFFFF;
	s2 =	simm.s32 @!p0 $0x1C01  }
0x64: {  	[timem:s3], [sflag:s2] =	dma.local @!p0 [hbm:s0], s1  }
0x65: {  	s0 =	simm.s32 @!p0 $0x1  }
0x66: {  	_ =	swait.ge @!p0 [sflag:s0], s1  }
0x67: {  	s1 =	ssub.s32 @!p0 $0x0, s1;
	[sflag:s0] =	ssyncset.done @!p0 $0x0  }
0x68: {  	[sflag:s0] =	ssyncadd.s32 @!p0 s1  }
0x69: {  	[bflag:$0x3] =	sbarrier.arrive $0xFFFF  }
0x6a: {  	_ =	shalt  }

</sc_bundles>
